<compile_context>
chip_gen: v7x
topology: tpu7x:2x2x1
jax: 0.10.2.dev20260603
libtpu: 0.0.44.dev20260713+nightly
codegen_flags: <defaults>
</compile_context>

<pallas_src>
import functools

import jax
import jax.numpy as jnp
from jax import lax
from jax.experimental import pallas as pl
from jax.experimental.pallas import tpu as pltpu
from jax.experimental.pallas import tpu_sc as plsc

_MASKING_RATIO = 0.75

_NC = 2
_NS = 16
_NW = _NC * _NS


@functools.lru_cache(maxsize=None)
def _make_gather(n_rows: int, d: int):
    assert n_rows % (8 * _NW) == 0
    rows_per_w = n_rows // _NW
    chunk = min(rows_per_w, 32)
    assert rows_per_w % chunk == 0
    n_chunks = rows_per_w // chunk
    nbuf = min(n_chunks, 3)

    mesh = plsc.VectorSubcoreMesh(core_axis_name="c", subcore_axis_name="s")

    @functools.partial(
        pl.kernel,
        mesh=mesh,
        out_type=jax.ShapeDtypeStruct((n_rows, d), jnp.float32),
        scratch_types=[
            pltpu.VMEM((rows_per_w,), jnp.int32),
            [pltpu.VMEM((chunk, d), jnp.float32) for _ in range(nbuf)],
            [pltpu.SemaphoreType.DMA for _ in range(nbuf)],
            [pltpu.SemaphoreType.DMA for _ in range(nbuf)],
        ],
    )
    def gather_rows(table_hbm, idx_hbm, out_hbm, idx_v, bufs, rsems, wsems):
        wid = lax.axis_index("s") * _NC + lax.axis_index("c")
        base = wid * rows_per_w
        pltpu.sync_copy(idx_hbm.at[pl.ds(base, rows_per_w)], idx_v)

        def start_read(ci):
            return pltpu.async_copy(
                table_hbm.at[idx_v.at[pl.ds(ci * chunk, chunk)]],
                bufs[ci % nbuf],
                rsems[ci % nbuf],
            )

        reads = {ci: start_read(ci) for ci in range(min(nbuf, n_chunks))}
        writes = {}
        for ci in range(n_chunks):
            reads[ci].wait()
            writes[ci] = pltpu.async_copy(
                bufs[ci % nbuf],
                out_hbm.at[pl.ds(base + ci * chunk, chunk)],
                wsems[ci % nbuf],
            )
            nxt = ci + nbuf
            if nxt < n_chunks:
                writes[ci].wait()
                reads[nxt] = start_read(nxt)
        for ci in range(max(0, n_chunks - nbuf), n_chunks):
            writes[ci].wait()

    return gather_rows


def kernel(x):
    b, s, d = x.shape
    rkey = jax.random.key(42)
    random_numbers = jax.random.normal(rkey, (b, s), dtype=jnp.float32)
    indices = jnp.argsort(random_numbers, axis=1)
    indices_restore = jnp.argsort(indices, axis=1)
    len_keep = int((1.0 - _MASKING_RATIO) * s)

    keep = indices[:, :len_keep].astype(jnp.int32)
    idx_flat = (keep + (jnp.arange(b, dtype=jnp.int32) * s)[:, None]).reshape(-1)

    table = x.reshape(b * s, d)
    out = _make_gather(b * len_keep, d)(table, idx_flat)
    return (out.reshape(b, len_keep, d), indices_restore)

# --- scband reference (transcript-rebuilt; emitter-appended) ---
"""Pipeline reference for scband-masking-53618371723821 (READ-ONLY COPY).

The authoritative reference and input builder live on the scoring server;
editing this copy changes nothing except your own understanding.
"""

import jax, jax.numpy as jnp
import numpy as np

MASKING_RATIO = 0.75

def setup_inputs(seed: int = 0) -> dict:
    key = jax.random.key(seed)
    x = jax.random.normal(key, (4, 4096, 1024), dtype=jnp.float32)
    return {"x": x}

def reference(x):
    B, S, D = x.shape
    # torch.randn inside forward -> fixed-key jax randomness (faithful structure)
    rkey = jax.random.key(42)
    random_numbers = jax.random.normal(rkey, (B, S), dtype=jnp.float32)
    indices = jnp.argsort(random_numbers, axis=1)
    indices_restore = jnp.argsort(indices, axis=1)
    indices_expand = indices[:, :, None]  # broadcast over dim via take_along_axis
    x_shuffled = jnp.take_along_axis(x, indices_expand, axis=1)
    len_keep = int((1.0 - MASKING_RATIO) * S)
    x_masked = x_shuffled[:, :len_keep, :]
    return (x_masked, indices_restore)

if __name__ == "__main__":
    import jax
    _d = setup_inputs()
    print(jax.jit(kernel)(*tuple(_d.values())))

</pallas_src>

<mosaic_0001>
#map = affine_map<(d0, d1) -> (0, 0)>
#map1 = affine_map<(d0, d1) -> (0)>
module attributes {stable_mosaic.version = 14 : i64} {
  func.func @gather_rows(%arg0: i32, %arg1: i32, %arg2: memref<16384x1024xf32, #tpu.memory_space<hbm>>, %arg3: memref<4096xi32, #tpu.memory_space<hbm>>, %arg4: memref<4096x1024xf32, #tpu.memory_space<hbm>>, %arg5: memref<128xi32, #tpu.memory_space<vmem>>, %arg6: memref<32x1024xf32, #tpu.memory_space<vmem>>, %arg7: memref<32x1024xf32, #tpu.memory_space<vmem>>, %arg8: memref<32x1024xf32, #tpu.memory_space<vmem>>, %arg9: memref<!tpu.dma_semaphore, #tpu.memory_space<semaphore_mem>>, %arg10: memref<!tpu.dma_semaphore, #tpu.memory_space<semaphore_mem>>, %arg11: memref<!tpu.dma_semaphore, #tpu.memory_space<semaphore_mem>>, %arg12: memref<!tpu.dma_semaphore, #tpu.memory_space<semaphore_mem>>, %arg13: memref<!tpu.dma_semaphore, #tpu.memory_space<semaphore_mem>>, %arg14: memref<!tpu.dma_semaphore, #tpu.memory_space<semaphore_mem>>) attributes {dimension_semantics = [#tpu.dimension_semantics<core_parallel>, #tpu.dimension_semantics<subcore_parallel>], iteration_bounds = array<i64: 2, 16>, scalar_prefetch = 0 : i64, scratch_operands = 10 : i64, tpu.core_type = #tpu.core_type<sc_vector_subcore>, window_params = [{transform_indices = #map}, {transform_indices = #map1}, {transform_indices = #map}]} {
    %mul3A = arith.constant 2 : i32
    %mul3A_0 = arith.muli %arg1, %mul3A : i32
    %add3A = arith.addi %mul3A_0, %arg0 : i32
    %mul3A_1 = arith.constant 128 : i32
    %mul3A_2 = arith.muli %add3A, %mul3A_1 : i32
    "tpu.region"() ({
      %run_scoped3A = tpu.sem_alloc : memref<!tpu.dma_semaphore, #tpu.memory_space<semaphore_mem>>
      %dma_start3A_81 = tpu.memref_slice %arg3[%mul3A_2] : memref<4096xi32, #tpu.memory_space<hbm>> -> memref<128xi32, #tpu.memory_space<hbm>>
      %dma_start3A_82 = tpu.memref_slice %arg3[%mul3A_2] : memref<4096xi32, #tpu.memory_space<hbm>> -> memref<128xi32, #tpu.memory_space<hbm>>
      tpu.enqueue_dma source(%dma_start3A_82 : memref<128xi32, #tpu.memory_space<hbm>>) target(%arg5 : memref<128xi32, #tpu.memory_space<vmem>>) target_semaphore(%run_scoped3A : memref<!tpu.dma_semaphore, #tpu.memory_space<semaphore_mem>>)
      %dma_wait3A_83 = tpu.memref_slice %arg3[%mul3A_2] : memref<4096xi32, #tpu.memory_space<hbm>> -> memref<128xi32, #tpu.memory_space<hbm>>
      %dma_wait3A_84 = tpu.memref_slice %arg3[%mul3A_2] : memref<4096xi32, #tpu.memory_space<hbm>> -> memref<128xi32, #tpu.memory_space<hbm>>
      tpu.wait_dma2 semaphore(%run_scoped3A : memref<!tpu.dma_semaphore, #tpu.memory_space<semaphore_mem>>) src(%dma_wait3A_84 : memref<128xi32, #tpu.memory_space<hbm>>) dst(%arg5 : memref<128xi32, #tpu.memory_space<vmem>>)
      tpu.yield
    }) : () -> ()
    %dma_start3A = arith.constant 0 : i32
    %dma_start3A_3 = tpu.memref_slice %arg5[%dma_start3A] : memref<128xi32, #tpu.memory_space<vmem>> -> memref<32xi32, #tpu.memory_space<vmem>>
    %dma_start3A_4 = arith.constant 0 : i32
    %dma_start3A_5 = arith.constant 0 : i32
    %dma_start3A_6 = tpu.memref_slice %arg2[%dma_start3A_4, %dma_start3A_5] : memref<16384x1024xf32, #tpu.memory_space<hbm>> -> memref<16384x1024xf32, #tpu.memory_space<hbm>>
    tpu.enqueue_indirect_dma source(%dma_start3A_6 : memref<16384x1024xf32, #tpu.memory_space<hbm>>) target(%arg6 : memref<32x1024xf32, #tpu.memory_space<vmem>>) offsets(%dma_start3A_3 : memref<32xi32, #tpu.memory_space<vmem>>) semaphore(%arg9 : memref<!tpu.dma_semaphore, #tpu.memory_space<semaphore_mem>>)
    %dma_start3A_7 = arith.constant 32 : i32
    %dma_start3A_8 = tpu.memref_slice %arg5[%dma_start3A_7] : memref<128xi32, #tpu.memory_space<vmem>> -> memref<32xi32, #tpu.memory_space<vmem>>
    %dma_start3A_9 = arith.constant 0 : i32
    %dma_start3A_10 = arith.constant 0 : i32
    %dma_start3A_11 = tpu.memref_slice %arg2[%dma_start3A_9, %dma_start3A_10] : memref<16384x1024xf32, #tpu.memory_space<hbm>> -> memref<16384x1024xf32, #tpu.memory_space<hbm>>
    tpu.enqueue_indirect_dma source(%dma_start3A_11 : memref<16384x1024xf32, #tpu.memory_space<hbm>>) target(%arg7 : memref<32x1024xf32, #tpu.memory_space<vmem>>) offsets(%dma_start3A_8 : memref<32xi32, #tpu.memory_space<vmem>>) semaphore(%arg10 : memref<!tpu.dma_semaphore, #tpu.memory_space<semaphore_mem>>)
    %dma_start3A_12 = arith.constant 64 : i32
    %dma_start3A_13 = tpu.memref_slice %arg5[%dma_start3A_12] : memref<128xi32, #tpu.memory_space<vmem>> -> memref<32xi32, #tpu.memory_space<vmem>>
    %dma_start3A_14 = arith.constant 0 : i32
    %dma_start3A_15 = arith.constant 0 : i32
    %dma_start3A_16 = tpu.memref_slice %arg2[%dma_start3A_14, %dma_start3A_15] : memref<16384x1024xf32, #tpu.memory_space<hbm>> -> memref<16384x1024xf32, #tpu.memory_space<hbm>>
    tpu.enqueue_indirect_dma source(%dma_start3A_16 : memref<16384x1024xf32, #tpu.memory_space<hbm>>) target(%arg8 : memref<32x1024xf32, #tpu.memory_space<vmem>>) offsets(%dma_start3A_13 : memref<32xi32, #tpu.memory_space<vmem>>) semaphore(%arg11 : memref<!tpu.dma_semaphore, #tpu.memory_space<semaphore_mem>>)
    %dma_wait3A = arith.constant 0 : i32
    %dma_wait3A_17 = tpu.memref_slice %arg5[%dma_wait3A] : memref<128xi32, #tpu.memory_space<vmem>> -> memref<32xi32, #tpu.memory_space<vmem>>
    %dma_wait3A_18 = arith.constant 0 : i32
    %dma_wait3A_19 = arith.constant 0 : i32
    %dma_wait3A_20 = tpu.memref_slice %arg2[%dma_wait3A_18, %dma_wait3A_19] : memref<16384x1024xf32, #tpu.memory_space<hbm>> -> memref<16384x1024xf32, #tpu.memory_space<hbm>>
    tpu.wait_indirect_dma semaphore(%arg9 : memref<!tpu.dma_semaphore, #tpu.memory_space<semaphore_mem>>) src(%dma_wait3A_20 : memref<16384x1024xf32, #tpu.memory_space<hbm>>) dst(%arg6 : memref<32x1024xf32, #tpu.memory_space<vmem>>)
    %add3A_21 = arith.constant 0 : i32
    %add3A_22 = arith.addi %mul3A_2, %add3A_21 : i32
    %dma_start3A_23 = arith.constant 0 : i32
    %dma_start3A_24 = tpu.memref_slice %arg4[%add3A_22, %dma_start3A_23] : memref<4096x1024xf32, #tpu.memory_space<hbm>> -> memref<32x1024xf32, #tpu.memory_space<hbm>>
    %dma_start3A_25 = arith.constant 0 : i32
    %dma_start3A_26 = tpu.memref_slice %arg4[%add3A_22, %dma_start3A_25] : memref<4096x1024xf32, #tpu.memory_space<hbm>> -> memref<32x1024xf32, #tpu.memory_space<hbm>>
    tpu.enqueue_dma source(%arg6 : memref<32x1024xf32, #tpu.memory_space<vmem>>) target(%dma_start3A_26 : memref<32x1024xf32, #tpu.memory_space<hbm>>) target_semaphore(%arg12 : memref<!tpu.dma_semaphore, #tpu.memory_space<semaphore_mem>>)
    %dma_wait3A_27 = arith.constant 0 : i32
    %dma_wait3A_28 = tpu.memref_slice %arg4[%add3A_22, %dma_wait3A_27] : memref<4096x1024xf32, #tpu.memory_space<hbm>> -> memref<32x1024xf32, #tpu.memory_space<hbm>>
    %dma_wait3A_29 = arith.constant 0 : i32
    %dma_wait3A_30 = tpu.memref_slice %arg4[%add3A_22, %dma_wait3A_29] : memref<4096x1024xf32, #tpu.memory_space<hbm>> -> memref<32x1024xf32, #tpu.memory_space<hbm>>
    tpu.wait_dma2 semaphore(%arg12 : memref<!tpu.dma_semaphore, #tpu.memory_space<semaphore_mem>>) src(%arg6 : memref<32x1024xf32, #tpu.memory_space<vmem>>) dst(%dma_wait3A_30 : memref<32x1024xf32, #tpu.memory_space<hbm>>)
    %dma_start3A_31 = arith.constant 96 : i32
    %dma_start3A_32 = tpu.memref_slice %arg5[%dma_start3A_31] : memref<128xi32, #tpu.memory_space<vmem>> -> memref<32xi32, #tpu.memory_space<vmem>>
    %dma_start3A_33 = arith.constant 0 : i32
    %dma_start3A_34 = arith.constant 0 : i32
    %dma_start3A_35 = tpu.memref_slice %arg2[%dma_start3A_33, %dma_start3A_34] : memref<16384x1024xf32, #tpu.memory_space<hbm>> -> memref<16384x1024xf32, #tpu.memory_space<hbm>>
    tpu.enqueue_indirect_dma source(%dma_start3A_35 : memref<16384x1024xf32, #tpu.memory_space<hbm>>) target(%arg6 : memref<32x1024xf32, #tpu.memory_space<vmem>>) offsets(%dma_start3A_32 : memref<32xi32, #tpu.memory_space<vmem>>) semaphore(%arg9 : memref<!tpu.dma_semaphore, #tpu.memory_space<semaphore_mem>>)
    %dma_wait3A_36 = arith.constant 32 : i32
    %dma_wait3A_37 = tpu.memref_slice %arg5[%dma_wait3A_36] : memref<128xi32, #tpu.memory_space<vmem>> -> memref<32xi32, #tpu.memory_space<vmem>>
    %dma_wait3A_38 = arith.constant 0 : i32
    %dma_wait3A_39 = arith.constant 0 : i32
    %dma_wait3A_40 = tpu.memref_slice %arg2[%dma_wait3A_38, %dma_wait3A_39] : memref<16384x1024xf32, #tpu.memory_space<hbm>> -> memref<16384x1024xf32, #tpu.memory_space<hbm>>
    tpu.wait_indirect_dma semaphore(%arg10 : memref<!tpu.dma_semaphore, #tpu.memory_space<semaphore_mem>>) src(%dma_wait3A_40 : memref<16384x1024xf32, #tpu.memory_space<hbm>>) dst(%arg7 : memref<32x1024xf32, #tpu.memory_space<vmem>>)
    %add3A_41 = arith.constant 32 : i32
    %add3A_42 = arith.addi %mul3A_2, %add3A_41 : i32
    %dma_start3A_43 = arith.constant 0 : i32
    %dma_start3A_44 = tpu.memref_slice %arg4[%add3A_42, %dma_start3A_43] : memref<4096x1024xf32, #tpu.memory_space<hbm>> -> memref<32x1024xf32, #tpu.memory_space<hbm>>
    %dma_start3A_45 = arith.constant 0 : i32
    %dma_start3A_46 = tpu.memref_slice %arg4[%add3A_42, %dma_start3A_45] : memref<4096x1024xf32, #tpu.memory_space<hbm>> -> memref<32x1024xf32, #tpu.memory_space<hbm>>
    tpu.enqueue_dma source(%arg7 : memref<32x1024xf32, #tpu.memory_space<vmem>>) target(%dma_start3A_46 : memref<32x1024xf32, #tpu.memory_space<hbm>>) target_semaphore(%arg13 : memref<!tpu.dma_semaphore, #tpu.memory_space<semaphore_mem>>)
    %dma_wait3A_47 = arith.constant 64 : i32
    %dma_wait3A_48 = tpu.memref_slice %arg5[%dma_wait3A_47] : memref<128xi32, #tpu.memory_space<vmem>> -> memref<32xi32, #tpu.memory_space<vmem>>
    %dma_wait3A_49 = arith.constant 0 : i32
    %dma_wait3A_50 = arith.constant 0 : i32
    %dma_wait3A_51 = tpu.memref_slice %arg2[%dma_wait3A_49, %dma_wait3A_50] : memref<16384x1024xf32, #tpu.memory_space<hbm>> -> memref<16384x1024xf32, #tpu.memory_space<hbm>>
    tpu.wait_indirect_dma semaphore(%arg11 : memref<!tpu.dma_semaphore, #tpu.memory_space<semaphore_mem>>) src(%dma_wait3A_51 : memref<16384x1024xf32, #tpu.memory_space<hbm>>) dst(%arg8 : memref<32x1024xf32, #tpu.memory_space<vmem>>)
    %add3A_52 = arith.constant 64 : i32
    %add3A_53 = arith.addi %mul3A_2, %add3A_52 : i32
    %dma_start3A_54 = arith.constant 0 : i32
    %dma_start3A_55 = tpu.memref_slice %arg4[%add3A_53, %dma_start3A_54] : memref<4096x1024xf32, #tpu.memory_space<hbm>> -> memref<32x1024xf32, #tpu.memory_space<hbm>>
    %dma_start3A_56 = arith.constant 0 : i32
    %dma_start3A_57 = tpu.memref_slice %arg4[%add3A_53, %dma_start3A_56] : memref<4096x1024xf32, #tpu.memory_space<hbm>> -> memref<32x1024xf32, #tpu.memory_space<hbm>>
    tpu.enqueue_dma source(%arg8 : memref<32x1024xf32, #tpu.memory_space<vmem>>) target(%dma_start3A_57 : memref<32x1024xf32, #tpu.memory_space<hbm>>) target_semaphore(%arg14 : memref<!tpu.dma_semaphore, #tpu.memory_space<semaphore_mem>>)
    %dma_wait3A_58 = arith.constant 96 : i32
    %dma_wait3A_59 = tpu.memref_slice %arg5[%dma_wait3A_58] : memref<128xi32, #tpu.memory_space<vmem>> -> memref<32xi32, #tpu.memory_space<vmem>>
    %dma_wait3A_60 = arith.constant 0 : i32
    %dma_wait3A_61 = arith.constant 0 : i32
    %dma_wait3A_62 = tpu.memref_slice %arg2[%dma_wait3A_60, %dma_wait3A_61] : memref<16384x1024xf32, #tpu.memory_space<hbm>> -> memref<16384x1024xf32, #tpu.memory_space<hbm>>
    tpu.wait_indirect_dma semaphore(%arg9 : memref<!tpu.dma_semaphore, #tpu.memory_space<semaphore_mem>>) src(%dma_wait3A_62 : memref<16384x1024xf32, #tpu.memory_space<hbm>>) dst(%arg6 : memref<32x1024xf32, #tpu.memory_space<vmem>>)
    %add3A_63 = arith.constant 96 : i32
    %add3A_64 = arith.addi %mul3A_2, %add3A_63 : i32
    %dma_start3A_65 = arith.constant 0 : i32
    %dma_start3A_66 = tpu.memref_slice %arg4[%add3A_64, %dma_start3A_65] : memref<4096x1024xf32, #tpu.memory_space<hbm>> -> memref<32x1024xf32, #tpu.memory_space<hbm>>
    %dma_start3A_67 = arith.constant 0 : i32
    %dma_start3A_68 = tpu.memref_slice %arg4[%add3A_64, %dma_start3A_67] : memref<4096x1024xf32, #tpu.memory_space<hbm>> -> memref<32x1024xf32, #tpu.memory_space<hbm>>
    tpu.enqueue_dma source(%arg6 : memref<32x1024xf32, #tpu.memory_space<vmem>>) target(%dma_start3A_68 : memref<32x1024xf32, #tpu.memory_space<hbm>>) target_semaphore(%arg12 : memref<!tpu.dma_semaphore, #tpu.memory_space<semaphore_mem>>)
    %dma_wait3A_69 = arith.constant 0 : i32
    %dma_wait3A_70 = tpu.memref_slice %arg4[%add3A_42, %dma_wait3A_69] : memref<4096x1024xf32, #tpu.memory_space<hbm>> -> memref<32x1024xf32, #tpu.memory_space<hbm>>
    %dma_wait3A_71 = arith.constant 0 : i32
    %dma_wait3A_72 = tpu.memref_slice %arg4[%add3A_42, %dma_wait3A_71] : memref<4096x1024xf32, #tpu.memory_space<hbm>> -> memref<32x1024xf32, #tpu.memory_space<hbm>>
    tpu.wait_dma2 semaphore(%arg13 : memref<!tpu.dma_semaphore, #tpu.memory_space<semaphore_mem>>) src(%arg7 : memref<32x1024xf32, #tpu.memory_space<vmem>>) dst(%dma_wait3A_72 : memref<32x1024xf32, #tpu.memory_space<hbm>>)
    %dma_wait3A_73 = arith.constant 0 : i32
    %dma_wait3A_74 = tpu.memref_slice %arg4[%add3A_53, %dma_wait3A_73] : memref<4096x1024xf32, #tpu.memory_space<hbm>> -> memref<32x1024xf32, #tpu.memory_space<hbm>>
    %dma_wait3A_75 = arith.constant 0 : i32
    %dma_wait3A_76 = tpu.memref_slice %arg4[%add3A_53, %dma_wait3A_75] : memref<4096x1024xf32, #tpu.memory_space<hbm>> -> memref<32x1024xf32, #tpu.memory_space<hbm>>
    tpu.wait_dma2 semaphore(%arg14 : memref<!tpu.dma_semaphore, #tpu.memory_space<semaphore_mem>>) src(%arg8 : memref<32x1024xf32, #tpu.memory_space<vmem>>) dst(%dma_wait3A_76 : memref<32x1024xf32, #tpu.memory_space<hbm>>)
    %dma_wait3A_77 = arith.constant 0 : i32
    %dma_wait3A_78 = tpu.memref_slice %arg4[%add3A_64, %dma_wait3A_77] : memref<4096x1024xf32, #tpu.memory_space<hbm>> -> memref<32x1024xf32, #tpu.memory_space<hbm>>
    %dma_wait3A_79 = arith.constant 0 : i32
    %dma_wait3A_80 = tpu.memref_slice %arg4[%add3A_64, %dma_wait3A_79] : memref<4096x1024xf32, #tpu.memory_space<hbm>> -> memref<32x1024xf32, #tpu.memory_space<hbm>>
    tpu.wait_dma2 semaphore(%arg12 : memref<!tpu.dma_semaphore, #tpu.memory_space<semaphore_mem>>) src(%arg6 : memref<32x1024xf32, #tpu.memory_space<vmem>>) dst(%dma_wait3A_80 : memref<32x1024xf32, #tpu.memory_space<hbm>>)
    return
  }
}

</mosaic_0001>

<sc_bundles>
// kernel: kernel.3.cloned.1.call-start
scs
__scs_entry_jumppad:
0x0: {  	(pc) =	sbr.rel $0x88, $3  }
0x1: {  	(tag) =	ssettag $0x0;
	lr =	simm.s32 $0x1  }
0x2: {  	[smem:$0x3FA0] =	sst lr;
	_ =	strace $0xD0000000  }
0x3: {  	_ = 	snop  }
0x4: {  	_ = 	snop  }
0x5: {  	_ = 	snop  }
0x6: {  	_ = 	snop  }
0x7: {  	_ = 	snop  }
__scs_overlays_trampoline_lowered:
0x8: {  	[smem:$0x3FAF] =	sst s0  }
0x9: {  	[smem:$0x3FB0] =	sst s1  }
0xa: {  	[smem:$0x3FB1] =	sst s2  }
0xb: {  	[smem:$0x3FB2] =	sst s3  }
0xc: {  	[smem:$0x3FB3] =	sst s4  }
0xd: {  	[smem:$0x3FB4] =	sst s5  }
0xe: {  	[smem:$0x3FB5] =	sst s6  }
0xf: {  	[smem:$0x3FB6] =	sst s7  }
0x10: {  	[smem:$0x3FB7] =	sst s8  }
0x11: {  	[smem:$0x3FB8] =	sst s9;
	s0 =	simm.s32 @!p0 $0x0  }
0x12: {  	s1 =	sld [smem:$0x3F9E];
	s0 =	simm.s32 @p0 $0x1  }
0x13: {  	[smem:$0x3FB9] =	sst s0;
	s0 =	simm.s32 @!p1 $0x0  }
0x14: {  	s2 =	sld [smem:$0x3F9D];
	s0 =	simm.s32 @p1 $0x1  }
0x15: {  	[smem:$0x3FBA] =	sst s0;
	s0 =	simm.s32 @!p2 $0x0  }
0x16: {  	s3 =	sld [smem:$0x3FDB];
	s0 =	simm.s32 @p2 $0x1  }
0x17: {  	s4 =	simm.s32 $0x1BF5;
	[smem:$0x3FBC] =	sst s0  }
0x18: {  	s0 =	sld [smem:$0x3F9F];
	_ =	swait.ge [sflag:s4], $0x0  }
0x19: {  	s7 =	sld [smem:$0x3FA0]  }
0x1a: {  	s8 =	sadd.s32 $0xFFFFE003, lr  }
0x1b: {  	s9 =	sadd.s32 $0xFFFFFEF7, lr;
	s5 =	simm.s32 $0xFFFFFFFF;
	p2 =	slt.u32 s8, $0xFFFFF086  }
0x1c: {  	p1 =	slt.u32 s9, $0xF7A;
	s5 =	simm.s32 @!p2 $0x0  }
0x1d: {  	s5 =	simm.s32 @p1 $0x1;
	p0 =	seq.s32 s7, s2  }
0x1e: {  	s7 =	smul.u32 @!p0 $0xF7A, s2;
	p2 =	seq.s32 @!p0 s5, $0x0  }
0x1f: {  	s9 =	smul.u32 $0xF7A, s1;
	s8 =	simm.s32 @!p0 $0x1BF5;
	p2 =	por !p2, p0  }
0x20: {  	[sflag:s8] =	ssyncset.s32 @!p0 $0xFFFFF086;
	s6 =	sadd.s32 @!p0 s3, s7;
	s7 =	simm.s32 @!p0 $0x108  }
0x21: {  	s3 =	sadd.s32 s3, s9;
	s6 =	sadd.s32 @!p0 $0x88, s6;
	s7 =	simm.s32 @p2 $0x1082  }
0x22: {  	[simem:s7], [sflag:s8] =	dma.local @!p0 [hbm:s6], $0xF7A  }
0x23: {  	s9 =	sor.u32 $0xD0000000, s2;
	s6 =	simm.s32 $0x108;
	_ =	swait.ge @!p0 [sflag:s8], $0x0  }
0x24: {  	s3 =	sadd.s32 $0x88, s3;
	s6 =	simm.s32 @!p1 $0x1082;
	[sflag:s4] =	ssyncset.s32 $0xFFFFF086  }
0x25: {  	[simem:s6], [sflag:s4] =	dma.local [hbm:s3], $0xF7A  }
0x26: {  	[smem:$0x3FA0] =	sst s1;
	(tag) =	ssettag s2;
	_ =	strace s9  }
0x27: {  	s1 =	sld [smem:$0x3FB0]  }
0x28: {  	s2 =	sld [smem:$0x3FB1]  }
0x29: {  	s4 =	sld [smem:$0x3FB3]  }
0x2a: {  	p0 =	seq.s32 s5, $0x0;
	s5 =	sld [smem:$0x3FB4]  }
0x2b: {  	s6 =	sld [smem:$0x3FB5]  }
0x2c: {  	s7 =	sld [smem:$0x3FB6]  }
0x2d: {  	s3 =	simm.s32 $0x108;
	s8 =	sld [smem:$0x3FB7]  }
0x2e: {  	s3 =	simm.s32 @!p0 $0x1082;
	s9 =	sld [smem:$0x3FB8]  }
0x2f: {  	lr =	sadd.s32 s0, s3;
	s0 =	sld [smem:$0x3FAF]  }
0x30: {  	s3 =	sld [smem:$0x3FB2]  }
0x31: {  	[smem:$0x3FBB] =	sst s10  }
0x32: {  	s10 =	sld [smem:$0x3FB9];
	_ =	sdelay $0x3  }
0x33: {  	p0 =	seq.s32 s10, $0x1;
	s10 =	sld [smem:$0x3FBB];
	_ =	sdelay $0x3  }
0x34: {  	[smem:$0x3FBB] =	sst s10  }
0x35: {  	s10 =	sld [smem:$0x3FBA];
	_ =	sdelay $0x3  }
0x36: {  	p1 =	seq.s32 s10, $0x1;
	s10 =	sld [smem:$0x3FBB];
	_ =	sdelay $0x3  }
0x37: {  	[smem:$0x3FBB] =	sst s10  }
0x38: {  	s10 =	sld [smem:$0x3FBC]  }
0x39: {  	_ = 	snop;
	(pc) =	sbr.ind lr, $3  }
0x3a: {  	_ = 	snop  }
0x3b: {  	_ = 	snop  }
0x3c: {  	p2 =	seq.s32 s10, $0x1;
	s10 =	sld [smem:$0x3FBB]  }
0x3d: {  	_ =	shalt  }
0x3e: {  	_ =	shalt  }
0x3f: {  	_ =	shalt  }
0x40: {  	_ =	shalt  }
0x41: {  	_ =	shalt  }
0x42: {  	_ =	shalt  }
0x43: {  	_ =	shalt  }
0x44: {  	_ =	shalt  }
0x45: {  	_ =	shalt  }
0x46: {  	_ =	shalt  }
0x47: {  	_ =	shalt  }
0x48: {  	_ =	shalt  }
0x49: {  	_ =	shalt  }
0x4a: {  	_ =	shalt  }
0x4b: {  	_ =	shalt  }
0x4c: {  	_ =	shalt  }
0x4d: {  	_ =	shalt  }
0x4e: {  	_ =	shalt  }
0x4f: {  	_ =	shalt  }
0x50: {  	_ =	shalt  }
0x51: {  	_ =	shalt  }
0x52: {  	_ =	shalt  }
0x53: {  	_ =	shalt  }
0x54: {  	_ =	shalt  }
0x55: {  	_ =	shalt  }
0x56: {  	_ =	shalt  }
0x57: {  	_ =	shalt  }
0x58: {  	_ =	shalt  }
0x59: {  	_ =	shalt  }
0x5a: {  	_ =	shalt  }
0x5b: {  	_ =	shalt  }
0x5c: {  	_ =	shalt  }
0x5d: {  	_ =	shalt  }
0x5e: {  	_ =	shalt  }
0x5f: {  	_ =	shalt  }
0x60: {  	_ =	shalt  }
0x61: {  	_ =	shalt  }
0x62: {  	_ =	shalt  }
0x63: {  	_ =	shalt  }
0x64: {  	_ =	shalt  }
0x65: {  	_ =	shalt  }
0x66: {  	_ =	shalt  }
0x67: {  	_ =	shalt  }
0x68: {  	_ =	shalt  }
0x69: {  	_ =	shalt  }
0x6a: {  	_ =	shalt  }
0x6b: {  	_ =	shalt  }
0x6c: {  	_ =	shalt  }
0x6d: {  	_ =	shalt  }
0x6e: {  	_ =	shalt  }
0x6f: {  	_ =	shalt  }
0x70: {  	_ =	shalt  }
0x71: {  	_ =	shalt  }
0x72: {  	_ =	shalt  }
0x73: {  	_ =	shalt  }
0x74: {  	_ =	shalt  }
0x75: {  	_ =	shalt  }
0x76: {  	_ =	shalt  }
0x77: {  	_ =	shalt  }
0x78: {  	_ =	shalt  }
0x79: {  	_ =	shalt  }
0x7a: {  	_ =	shalt  }
0x7b: {  	_ =	shalt  }
0x7c: {  	_ =	shalt  }
0x7d: {  	_ =	shalt  }
0x7e: {  	_ =	shalt  }
0x7f: {  	_ =	shalt  }
0x80: {  	_ =	shalt  }
0x81: {  	_ =	shalt  }
0x82: {  	_ =	shalt  }
0x83: {  	_ =	shalt  }
0x84: {  	_ =	shalt  }
0x85: {  	_ =	shalt  }
0x86: {  	_ =	shalt  }
0x87: {  	_ =	shalt  }
.Lfunc_end0:
.L_simem_size_0:
called_computation_lowered:
.L_overlay_start_0:
0x88: {  	s2 =	sld [smem:$0x3FD9]  }
0x89: {  	s3 =	sld [smem:$0x3FFE];
	_ =	sdelay $0x1  }
0x8a: {  	s1 =	srdreg.scid  }
0x8b: {  	s0 =	sand.u32 $0x1, s1  }
0x8c: {  	s14 =	sshll.u32 s0, $0xA;
	s2 =	sadd.s32 s3, s2  }
0x8d: {  	s2 =	sadd.s32 s2, s14  }
0x8e: {  	[smem:$0x3FC7] =	sst s2  }
0x8f: {  	_ = 	snop  }
0x90: {  	s2 =	sld [smem:$0x3FD0];
	_ =	sdelay $0x2  }
0x91: {  	s4 =	simm.s32 $0xA;
	s5 =	simm.s32 $0x10;
	s15 =	sld [smem:$0x3FC9]  }
0x92: {  	[smem:s5], [sflag:s4] =	dma.local [hbm:s2], $0x1  }
0x93: {  	_ =	swait.eq [sflag:s4], $0x1  }
0x94: {  	[sflag:s4] =	ssyncset.done $0x0  }
0x95: {  	[sflag:s4] =	ssyncadd.s32 $0xFFFFFFFF  }
0x96: {  	s16 =	sld [smem:$0x10];
	(tm) =	ssettm $0x1  }
0x97: {  	s17 =	sld [smem:$0x3FFB];
	_ =	sdelay $0x3  }
0x98: {  	_ =	strace s17  }
0x99: {  	s4 =	sld [smem:$0x3FFC];
	_ =	sdelay $0x3  }
0x9a: {  	_ =	strace s4  }
0x9b: {  	s4 =	sld [smem:$0x3FFD];
	_ =	sdelay $0x3  }
0x9c: {  	_ =	strace s4  }
0x9d: {  	_ =	strace $0x8FFFFFFF  }
0x9e: {  	s18 =	sld [smem:$0x3FDB];
	_ =	sdelay $0x1  }
0x9f: {  	s19 =	simm.s32 $_scs_section_size  }
0xa0: {  	s6 =	simm.s32 $_size__tile_overlayer_lowered;
	s7 =	simm.s32 $_tile_overlayer_lowered  }
0xa1: {  	s22 =	simm.s32 $0x1BFF;
	s21 =	sshll.u32 s7, $0x1;
	s4 =	sadd.s32 s19, s18  }
0xa2: {  	s8 =	simm.s32 $0x0;
	s20 =	sshll.u32 s6, $0x1;
	s6 =	sadd.s32 s21, s4  }
0xa3: {  	[timem:s8], [sflag:s22] =	dma.local [hbm:s6], s20  }
0xa4: {  	_ =	swait.ge [sflag:s22], s20  }
0xa5: {  	s5 =	ssub.s32 $0x0, s20;
	[sflag:s22] =	ssyncset.done $0x0  }
0xa6: {  	[sflag:s22] =	ssyncadd.s32 s5;
	_ =	sdelay $0x1  }
0xa7: {  	s23 =	simm.s32 $0x1B8B  }
0xa8: {  	_ =	swait.ge [sflag:s23], $0x1  }
0xa9: {  	[sflag:s23] =	ssyncset.done $0x0  }
0xaa: {  	s25 =	simm.s32 $0x1B8E;
	s24 =	sld [smem:$0x3FFE];
	[sflag:s23] =	ssyncadd.s32 $0xFFFFFFFF  }
0xab: {  	s26 =	simm.s32 $execute0_lowered;
	[smem:$0x3FD2] =	sst s25  }
0xac: {  	s6 =	sshll.u32 s26, $0x1;
	_ =	strace $0x80000046;
	[dreg:$0x1] =	wrdreg $0xFFFFFFFF  }
0xad: {  	s28 =	simm.s32 $_size_execute0_lowered;
	s4 =	sadd.s32 s4, s6;
	[dreg:$0x0] =	wrdreg $0x0  }
0xae: {  	s6 =	sshll.u32 s28, $0x1;
	[dreg:$0x2] =	wrdreg s4  }
0xaf: {  	[dreg:$0x3] =	wrdreg s6  }
0xb0: {  	[dreg:$0x4] =	wrdreg $0xC0  }
0xb1: {  	_ =	task [dreg:s8], $0x5FFFF  }
0xb2: {  	[dreg:$0x1] =	wrdreg $0xFFFFFFFF  }
0xb3: {  	[dreg:$0x0] =	wrdreg $0x60  }
0xb4: {  	[dreg:$0x2] =	wrdreg s15  }
0xb5: {  	[dreg:$0x3] =	wrdreg s24  }
0xb6: {  	[dreg:$0x4] =	wrdreg s16  }
0xb7: {  	[dreg:$0x5] =	wrdreg $0x9  }
0xb8: {  	_ =	task.clear_ibuf [dreg:s8], $0x6FFFF;
	_ =	strace $0x90000046  }
0xb9: {  	s29 =	simm.s32 $0x9;
	_ =	strace $0x80000048  }
0xba: {  	_ =	swait.ge [sflag:s29], $0x1  }
0xbb: {  	[sflag:s29] =	ssyncadd.s32 $0xFFFFFFFF  }
0xbc: {  	_ =	strace $0x90000048  }
0xbd: {  	_ =	sfence  }
0xbe: {  	s30 =	sld [smem:$0x0];
	_ =	sdelay $0x2  }
0xbf: {  	s31 =	sshll.u32 s1, $0xD;
	s1 =	sshrl.u32 s1, $0x2  }
0xc0: {  	s3 =	sand.u32 $0x4000, s31;
	s1 =	sadd.s32 s1, s30  }
0xc1: {  	s0 =	sor.u32 s3, s0;
	s1 =	sshll.u32 s1, $0x11  }
0xc2: {  	s0 =	sor.u32 s1, s0  }
0xc3: {  	s0 =	sadd.s32 $0x8F2B, s0  }
0xc4: {  	[sflag:s0] =	ssyncadd.remote.s32 $0x1  }
0xc5: {  	_ =	sfence.sel $0xFFFF  }
0xc6: {  	[dreg:$0x0] =	wrdreg $0xFFFFFFFF;
	(pc) =	sbr.abs _section_cstart, $3  }
0xc7: {  	[dreg:$0x1] =	wrdreg $0xFFFFFFFF  }
0xc8: {  	_ =	task.clear_ibuf [dreg:s8], $0x2FFFF;
	_ =	strace $0x9FFFFFFF  }
0xc9: {  	(tm) =	ssettm $0x7FFFFFFF  }
tec
execute0_lowered:
.L_overlay_start_1:
0x0: {  	(tag) =	ssettag $0x1  }
0x1: {  	s1 =	rddreg [dreg:$0x0]  }
0x2: {  	s2 =	rddreg [dreg:$0x1];
	s3 =	stileid.u32  }
0x3: {  	s4 =	rddreg [dreg:$0x2];
	s5 =	sshll.u32 s3, $0x8;
	s3 =	simm.s32 $0x0  }
0x4: {  	s19 =	simm.s32 $0x8880;
	[smem:$0x7FF] =	sst s3  }
0x5: {  	s20 =	simm.s32 $0x9080;
	_ =	strace $0x80000047;
	[dreg:$0x8] =	wrdreg s19  }
0x6: {  	s21 =	simm.s32 $0x9880;
	[dreg:$0x9] =	wrdreg s20  }
0x7: {  	s22 =	simm.s32 $0xA080;
	[dreg:$0xa] =	wrdreg s21  }
0x8: {  	s23 =	simm.s32 $0xA880;
	[dreg:$0xb] =	wrdreg s22  }
0x9: {  	s24 =	simm.s32 $0xB080;
	[dreg:$0xc] =	wrdreg s23  }
0xa: {  	s25 =	simm.s32 $0xB880;
	[dreg:$0xd] =	wrdreg s24  }
0xb: {  	s26 =	simm.s32 $0xC080;
	[dreg:$0xe] =	wrdreg s25  }
0xc: {  	s7 =	simm.s32 $0xD880;
	[dreg:$0xf] =	wrdreg s26  }
0xd: {  	s8 =	simm.s32 $0xE080;
	[dreg:$0x12] =	wrdreg s7  }
0xe: {  	s9 =	simm.s32 $0xE880;
	[dreg:$0x13] =	wrdreg s8  }
0xf: {  	s0 =	srdreg.scid;
	s10 =	simm.s32 $0xF080;
	[dreg:$0x14] =	wrdreg s9  }
0x10: {  	s11 =	simm.s32 $0xF880;
	s12 =	simm.s32 $0x10880;
	[dreg:$0x15] =	wrdreg s10  }
0x11: {  	s13 =	simm.s32 $0x11080;
	s14 =	simm.s32 $0x11880;
	[dreg:$0x16] =	wrdreg s11  }
0x12: {  	s15 =	simm.s32 $0x12080;
	s29 =	simm.s32 $0x1;
	[dreg:$0x17] =	wrdreg s12  }
0x13: {  	s30 =	simm.s32 $0x4;
	s28 =	simm.s32 $0x7880;
	[dreg:$0x18] =	wrdreg s13  }
0x14: {  	s31 =	simm.s32 $0x10080;
	s0 =	sand.u32 $0x1, s0;
	[dreg:$0x19] =	wrdreg s14  }
0x15: {  	s6 =	sshll.u32 s0, $0x7;
	[dreg:$0x1a] =	wrdreg s15;
	s19 =	simm.s32 $0x14080  }
0x16: {  	s0 =	ssub.s32 $0x2, s0;
	s20 =	simm.s32 $0x14880;
	[dreg:$0x1e] =	wrdreg s19  }
0x17: {  	s5 =	sor.u32 s6, s5;
	s21 =	simm.s32 $0x15080;
	[dreg:$0x1f] =	wrdreg s20  }
0x18: {  	s7 =	sadd.s32 $0x300, s1;
	s22 =	simm.s32 $0x15880;
	[smem:$0x7F8] =	sst s21  }
0x19: {  	s10 =	simm.s32 $0x80;
	s23 =	simm.s32 $0x16080;
	[smem:$0x7F9] =	sst s22  }
0x1a: {  	s24 =	simm.s32 $0x16880;
	s25 =	simm.s32 $0x17080;
	[smem:$0x7FA] =	sst s23  }
0x1b: {  	s26 =	simm.s32 $0x17880;
	s13 =	simm.s32 $0x880;
	[smem:$0x7FB] =	sst s24  }
0x1c: {  	s14 =	simm.s32 $0x1080;
	s15 =	simm.s32 $0x1880;
	[smem:$0x7FC] =	sst s25  }
0x1d: {  	s6 =	sshrl.u32 s5, $0x3;
	s5 =	sshll.u32 s5, $0x7;
	[smem:$0x7FD] =	sst s26  }
0x1e: {  	s19 =	simm.s32 $0x3880;
	s20 =	simm.s32 $0x4080;
	s21 =	simm.s32 $0x4880  }
0x1f: {  	s22 =	simm.s32 $0x5080;
	s23 =	simm.s32 $0x5880;
	s2 =	sadd.s32 s2, s6  }
0x20: {  	s24 =	simm.s32 $0x6080;
	s4 =	sadd.s32 s4, s5;
	[dreg:$0x4] =	wrdreg s2  }
0x21: {  	s25 =	simm.s32 $0x6880;
	s5 =	simm.s32 $0xD080;
	[smem:$0x7F7] =	sst s4  }
0x22: {  	s26 =	simm.s32 $0x7080;
	s16 =	sadd.s32 $0x1000, s4;
	[dreg:$0x11] =	wrdreg s5  }
0x23: {  	s6 =	sshrl.u32 s0, $0x1;
	s17 =	sadd.s32 $0x2000, s4;
	[dreg:$0x5] =	wrdreg s16  }
0x24: {  	s18 =	sadd.s32 $0x3000, s4;
	s4 =	simm.s32 $0xC880;
	[dreg:$0x6] =	wrdreg s17  }
0x25: {  	s0 =	ssub.s32 s0, s6;
	s5 =	sadd.s32 $0x100, s1;
	[dreg:$0x7] =	wrdreg s18  }
0x26: {  	s6 =	sadd.s32 $0x200, s1;
	[dreg:$0x10] =	wrdreg s4;
	s16 =	simm.s32 $0x12880  }
0x27: {  	s2 =	simm.s32 $0x3;
	s17 =	simm.s32 $0x13080;
	[dreg:$0x1b] =	wrdreg s16  }
0x28: {  	v2 =	vlaneseq.u32;
	s8 =	smax.u32 s0, $0x1;
	s18 =	simm.s32 $0x13880;
	[dreg:$0x1c] =	wrdreg s17  }
0x29: {  	vm0 =	vmmov $0xffff;
	v1 =	vshrl.u32 v2, $0x3;
	s0 =	simm.s32 $0x5;
	s4 =	simm.s32 $0x6;
	[dreg:$0x1d] =	wrdreg s18  }
0x2a: {  	v0 =	vand.u32 $0x7, v2;
	v2 =	vor.u32 $0x8, v2;
	v1 =	vmul.u32 $0x8, v1;
	s16 =	simm.s32 $0x2080;
	s17 =	simm.s32 $0x2880;
	s18 =	simm.s32 $0x3080  }
.LBB2_1:
0x2b: {  	s11 =	rddreg [dreg:$0x4];
	s9 =	simm.s32 $0x7  }
0x2c: {  	[tilespmem:s3], [sflag:$0x7] =	stream.linear.gather [hbm4b:s11+s3], $0x80, $0x38;
	[tilespmem:$0x18080] =	vst v63  }
0x2d: {  	_ =	swait.ge [sflag:s9], $0x80  }
0x2e: {  	[sflag:s9] =	ssyncset.done $0x0  }
0x2f: {  	[sflag:s9] =	ssyncadd.s32 $0xFFFFFF80  }
0x30: {  	v3 =	vld [tilespmem:$0x0];
	_ =	sdelay $0x4  }
0x31: {  	v4 =	vshll.u32 v3, $0x3  }
0x32: {  	v3 =	vand.u32 $0x7, v3;
	v4 =	vand.u32 $0xFFFFFFC0, v4  }
0x33: {  	v3 =	vor.u32 v3, v4  }
0x34: {  	v4 =	vperm.xlane v3, v0;
	_ =	sdelay $0x1  }
0x35: {  	v4 =	vadd.s32 v1, v4;
	_ =	sdelay $0x4  }
0x36: {  	[tilespmem:s10], [sflag:$0x1] =	stream.indirect_vreg.gather [hbm4b:s1+s3], $0x80, v4, vm0, $0xb8;
	[tilespmem:$0x18080] =	vst v63  }
0x37: {  	v3 =	vperm.xlane v3, v2  }
0x38: {  	[tilespmem:s13], [sflag:$0x1] =	stream.indirect_vreg.gather [hbm4b:s5+s3], $0x80, v4, vm0, $0xb8;
	[tilespmem:$0x18080] =	vst v63  }
0x39: {  	v3 =	vadd.s32 v1, v3  }
0x3a: {  	[tilespmem:s14], [sflag:$0x1] =	stream.indirect_vreg.gather [hbm4b:s6+s3], $0x80, v4, vm0, $0xb8;
	[tilespmem:$0x18080] =	vst v63  }
0x3b: {  	_ = 	snop  }
0x3c: {  	[tilespmem:s15], [sflag:$0x1] =	stream.indirect_vreg.gather [hbm4b:s7+s3], $0x80, v4, vm0, $0xb8;
	[tilespmem:$0x18080] =	vst v63  }
0x3d: {  	_ = 	snop  }
0x3e: {  	[tilespmem:s16], [sflag:$0x1] =	stream.indirect_vreg.gather [hbm4b:s1+s3], $0x80, v3, vm0, $0xb8;
	[tilespmem:$0x18080] =	vst v63  }
0x3f: {  	_ = 	snop  }
0x40: {  	[tilespmem:s17], [sflag:$0x1] =	stream.indirect_vreg.gather [hbm4b:s5+s3], $0x80, v3, vm0, $0xb8;
	[tilespmem:$0x18080] =	vst v63  }
0x41: {  	_ = 	snop  }
0x42: {  	[tilespmem:s18], [sflag:$0x1] =	stream.indirect_vreg.gather [hbm4b:s6+s3], $0x80, v3, vm0, $0xb8;
	[tilespmem:$0x18080] =	vst v63  }
0x43: {  	_ = 	snop  }
0x44: {  	[tilespmem:s19], [sflag:$0x1] =	stream.indirect_vreg.gather [hbm4b:s7+s3], $0x80, v3, vm0, $0xb8;
	[tilespmem:$0x18080] =	vst v63  }
0x45: {  	v3 =	vld [tilespmem:$0x10];
	_ =	sdelay $0x4  }
0x46: {  	v57 =	vshll.u32 v3, $0x3  }
0x47: {  	v3 =	vand.u32 $0x7, v3;
	v4 =	vand.u32 $0xFFFFFFC0, v57  }
0x48: {  	v3 =	vor.u32 v3, v4  }
0x49: {  	v4 =	vperm.xlane v3, v0;
	_ =	sdelay $0x1  }
0x4a: {  	v4 =	vadd.s32 v1, v4;
	_ =	sdelay $0x4  }
0x4b: {  	[tilespmem:s20], [sflag:$0x1] =	stream.indirect_vreg.gather [hbm4b:s1+s3], $0x80, v4, vm0, $0xb8;
	[tilespmem:$0x18080] =	vst v63  }
0x4c: {  	v3 =	vperm.xlane v3, v2  }
0x4d: {  	[tilespmem:s21], [sflag:$0x1] =	stream.indirect_vreg.gather [hbm4b:s5+s3], $0x80, v4, vm0, $0xb8;
	[tilespmem:$0x18080] =	vst v63  }
0x4e: {  	v3 =	vadd.s32 v1, v3  }
0x4f: {  	[tilespmem:s22], [sflag:$0x1] =	stream.indirect_vreg.gather [hbm4b:s6+s3], $0x80, v4, vm0, $0xb8;
	[tilespmem:$0x18080] =	vst v63  }
0x50: {  	_ = 	snop  }
0x51: {  	[tilespmem:s23], [sflag:$0x1] =	stream.indirect_vreg.gather [hbm4b:s7+s3], $0x80, v4, vm0, $0xb8;
	[tilespmem:$0x18080] =	vst v63  }
0x52: {  	_ = 	snop  }
0x53: {  	[tilespmem:s24], [sflag:$0x1] =	stream.indirect_vreg.gather [hbm4b:s1+s3], $0x80, v3, vm0, $0xb8;
	[tilespmem:$0x18080] =	vst v63  }
0x54: {  	_ = 	snop  }
0x55: {  	[tilespmem:s25], [sflag:$0x1] =	stream.indirect_vreg.gather [hbm4b:s5+s3], $0x80, v3, vm0, $0xb8;
	[tilespmem:$0x18080] =	vst v63  }
0x56: {  	_ = 	snop  }
0x57: {  	[tilespmem:s26], [sflag:$0x1] =	stream.indirect_vreg.gather [hbm4b:s6+s3], $0x80, v3, vm0, $0xb8;
	[tilespmem:$0x18080] =	vst v63  }
0x58: {  	_ = 	snop  }
0x59: {  	[tilespmem:s28], [sflag:$0x1] =	stream.indirect_vreg.gather [hbm4b:s7+s3], $0x80, v3, vm0, $0xb8;
	[tilespmem:$0x18080] =	vst v63  }
0x5a: {  	v3 =	vld [tilespmem:$0x20];
	_ =	sdelay $0x4  }
0x5b: {  	v58 =	vshll.u32 v3, $0x3  }
0x5c: {  	v3 =	vand.u32 $0x7, v3;
	v4 =	vand.u32 $0xFFFFFFC0, v58  }
0x5d: {  	v3 =	vor.u32 v3, v4  }
0x5e: {  	v4 =	vperm.xlane v3, v0;
	_ =	sdelay $0x1  }
0x5f: {  	v4 =	vadd.s32 v1, v4;
	_ =	sdelay $0x3  }
0x60: {  	s9 =	simm.s32 $0x8080  }
0x61: {  	[tilespmem:s9], [sflag:$0x2] =	stream.indirect_vreg.gather [hbm4b:s1+s3], $0x80, v4, vm0, $0xb8;
	[tilespmem:$0x18080] =	vst v63  }
0x62: {  	s11 =	rddreg [dreg:$0x8];
	v3 =	vperm.xlane v3, v2  }
0x63: {  	[tilespmem:s11], [sflag:$0x2] =	stream.indirect_vreg.gather [hbm4b:s5+s3], $0x80, v4, vm0, $0xb8;
	[tilespmem:$0x18080] =	vst v63  }
0x64: {  	s12 =	rddreg [dreg:$0x9];
	v3 =	vadd.s32 v1, v3  }
0x65: {  	[tilespmem:s12], [sflag:$0x2] =	stream.indirect_vreg.gather [hbm4b:s6+s3], $0x80, v4, vm0, $0xb8;
	[tilespmem:$0x18080] =	vst v63  }
0x66: {  	s11 =	rddreg [dreg:$0xa]  }
0x67: {  	[tilespmem:s11], [sflag:$0x2] =	stream.indirect_vreg.gather [hbm4b:s7+s3], $0x80, v4, vm0, $0xb8;
	[tilespmem:$0x18080] =	vst v63  }
0x68: {  	s12 =	rddreg [dreg:$0xb]  }
0x69: {  	[tilespmem:s12], [sflag:$0x2] =	stream.indirect_vreg.gather [hbm4b:s1+s3], $0x80, v3, vm0, $0xb8;
	[tilespmem:$0x18080] =	vst v63  }
0x6a: {  	s11 =	rddreg [dreg:$0xc]  }
0x6b: {  	[tilespmem:s11], [sflag:$0x2] =	stream.indirect_vreg.gather [hbm4b:s5+s3], $0x80, v3, vm0, $0xb8;
	[tilespmem:$0x18080] =	vst v63  }
0x6c: {  	s12 =	rddreg [dreg:$0xd]  }
0x6d: {  	[tilespmem:s12], [sflag:$0x2] =	stream.indirect_vreg.gather [hbm4b:s6+s3], $0x80, v3, vm0, $0xb8;
	[tilespmem:$0x18080] =	vst v63  }
0x6e: {  	s11 =	rddreg [dreg:$0xe]  }
0x6f: {  	[tilespmem:s11], [sflag:$0x2] =	stream.indirect_vreg.gather [hbm4b:s7+s3], $0x80, v3, vm0, $0xb8;
	[tilespmem:$0x18080] =	vst v63  }
0x70: {  	v3 =	vld [tilespmem:$0x30];
	_ =	sdelay $0x4  }
0x71: {  	v59 =	vshll.u32 v3, $0x3  }
0x72: {  	v3 =	vand.u32 $0x7, v3;
	v4 =	vand.u32 $0xFFFFFFC0, v59  }
0x73: {  	v3 =	vor.u32 v3, v4  }
0x74: {  	v4 =	vperm.xlane v3, v0;
	_ =	sdelay $0x1  }
0x75: {  	v4 =	vadd.s32 v1, v4;
	_ =	sdelay $0x3  }
0x76: {  	s11 =	rddreg [dreg:$0xf]  }
0x77: {  	[tilespmem:s11], [sflag:$0x2] =	stream.indirect_vreg.gather [hbm4b:s1+s3], $0x80, v4, vm0, $0xb8;
	[tilespmem:$0x18080] =	vst v63  }
0x78: {  	s12 =	rddreg [dreg:$0x10];
	v3 =	vperm.xlane v3, v2  }
0x79: {  	[tilespmem:s12], [sflag:$0x2] =	stream.indirect_vreg.gather [hbm4b:s5+s3], $0x80, v4, vm0, $0xb8;
	[tilespmem:$0x18080] =	vst v63  }
0x7a: {  	v3 =	vadd.s32 v1, v3;
	s11 =	rddreg [dreg:$0x11]  }
0x7b: {  	[tilespmem:s11], [sflag:$0x2] =	stream.indirect_vreg.gather [hbm4b:s6+s3], $0x80, v4, vm0, $0xb8;
	[tilespmem:$0x18080] =	vst v63  }
0x7c: {  	s12 =	rddreg [dreg:$0x12]  }
0x7d: {  	[tilespmem:s12], [sflag:$0x2] =	stream.indirect_vreg.gather [hbm4b:s7+s3], $0x80, v4, vm0, $0xb8;
	[tilespmem:$0x18080] =	vst v63  }
0x7e: {  	s11 =	rddreg [dreg:$0x13]  }
0x7f: {  	[tilespmem:s11], [sflag:$0x2] =	stream.indirect_vreg.gather [hbm4b:s1+s3], $0x80, v3, vm0, $0xb8;
	[tilespmem:$0x18080] =	vst v63  }
0x80: {  	s12 =	rddreg [dreg:$0x14]  }
0x81: {  	[tilespmem:s12], [sflag:$0x2] =	stream.indirect_vreg.gather [hbm4b:s5+s3], $0x80, v3, vm0, $0xb8;
	[tilespmem:$0x18080] =	vst v63  }
0x82: {  	s11 =	rddreg [dreg:$0x15]  }
0x83: {  	[tilespmem:s11], [sflag:$0x2] =	stream.indirect_vreg.gather [hbm4b:s6+s3], $0x80, v3, vm0, $0xb8;
	[tilespmem:$0x18080] =	vst v63  }
0x84: {  	s12 =	rddreg [dreg:$0x16]  }
0x85: {  	[tilespmem:s12], [sflag:$0x2] =	stream.indirect_vreg.gather [hbm4b:s7+s3], $0x80, v3, vm0, $0xb8;
	[tilespmem:$0x18080] =	vst v63  }
0x86: {  	v3 =	vld [tilespmem:$0x40];
	_ =	sdelay $0x4  }
0x87: {  	v60 =	vshll.u32 v3, $0x3  }
0x88: {  	v3 =	vand.u32 $0x7, v3;
	v4 =	vand.u32 $0xFFFFFFC0, v60  }
0x89: {  	v3 =	vor.u32 v3, v4  }
0x8a: {  	v4 =	vperm.xlane v3, v0;
	_ =	sdelay $0x1  }
0x8b: {  	v4 =	vadd.s32 v1, v4;
	_ =	sdelay $0x4  }
0x8c: {  	[tilespmem:s31], [sflag:$0x3] =	stream.indirect_vreg.gather [hbm4b:s1+s3], $0x80, v4, vm0, $0xb8;
	[tilespmem:$0x18080] =	vst v63  }
0x8d: {  	s11 =	rddreg [dreg:$0x17];
	v3 =	vperm.xlane v3, v2  }
0x8e: {  	[tilespmem:s11], [sflag:$0x3] =	stream.indirect_vreg.gather [hbm4b:s5+s3], $0x80, v4, vm0, $0xb8;
	[tilespmem:$0x18080] =	vst v63  }
0x8f: {  	s12 =	rddreg [dreg:$0x18];
	v3 =	vadd.s32 v1, v3  }
0x90: {  	[tilespmem:s12], [sflag:$0x3] =	stream.indirect_vreg.gather [hbm4b:s6+s3], $0x80, v4, vm0, $0xb8;
	[tilespmem:$0x18080] =	vst v63  }
0x91: {  	s11 =	rddreg [dreg:$0x19]  }
0x92: {  	[tilespmem:s11], [sflag:$0x3] =	stream.indirect_vreg.gather [hbm4b:s7+s3], $0x80, v4, vm0, $0xb8;
	[tilespmem:$0x18080] =	vst v63  }
0x93: {  	s12 =	rddreg [dreg:$0x1a]  }
0x94: {  	[tilespmem:s12], [sflag:$0x3] =	stream.indirect_vreg.gather [hbm4b:s1+s3], $0x80, v3, vm0, $0xb8;
	[tilespmem:$0x18080] =	vst v63  }
0x95: {  	s11 =	rddreg [dreg:$0x1b]  }
0x96: {  	[tilespmem:s11], [sflag:$0x3] =	stream.indirect_vreg.gather [hbm4b:s5+s3], $0x80, v3, vm0, $0xb8;
	[tilespmem:$0x18080] =	vst v63  }
0x97: {  	s12 =	rddreg [dreg:$0x1c]  }
0x98: {  	[tilespmem:s12], [sflag:$0x3] =	stream.indirect_vreg.gather [hbm4b:s6+s3], $0x80, v3, vm0, $0xb8;
	[tilespmem:$0x18080] =	vst v63  }
0x99: {  	s11 =	rddreg [dreg:$0x1d]  }
0x9a: {  	[tilespmem:s11], [sflag:$0x3] =	stream.indirect_vreg.gather [hbm4b:s7+s3], $0x80, v3, vm0, $0xb8;
	[tilespmem:$0x18080] =	vst v63  }
0x9b: {  	v3 =	vld [tilespmem:$0x50];
	_ =	sdelay $0x4  }
0x9c: {  	v61 =	vshll.u32 v3, $0x3  }
0x9d: {  	v3 =	vand.u32 $0x7, v3;
	v4 =	vand.u32 $0xFFFFFFC0, v61  }
0x9e: {  	v3 =	vor.u32 v3, v4  }
0x9f: {  	v4 =	vperm.xlane v3, v0;
	_ =	sdelay $0x1  }
0xa0: {  	v4 =	vadd.s32 v1, v4;
	_ =	sdelay $0x2  }
0xa1: {  	s12 =	rddreg [dreg:$0x1f]  }
0xa2: {  	s11 =	rddreg [dreg:$0x1e]  }
0xa3: {  	[tilespmem:s11], [sflag:$0x3] =	stream.indirect_vreg.gather [hbm4b:s1+s3], $0x80, v4, vm0, $0xb8;
	[tilespmem:$0x18080] =	vst v63  }
0xa4: {  	v3 =	vperm.xlane v3, v2;
	s11 =	sld [smem:$0x7F8]  }
0xa5: {  	[tilespmem:s12], [sflag:$0x3] =	stream.indirect_vreg.gather [hbm4b:s5+s3], $0x80, v4, vm0, $0xb8;
	[tilespmem:$0x18080] =	vst v63  }
0xa6: {  	v3 =	vadd.s32 v1, v3;
	s12 =	sld [smem:$0x7F9]  }
0xa7: {  	[tilespmem:s11], [sflag:$0x3] =	stream.indirect_vreg.gather [hbm4b:s6+s3], $0x80, v4, vm0, $0xb8;
	[tilespmem:$0x18080] =	vst v63  }
0xa8: {  	s11 =	sld [smem:$0x7FA]  }
0xa9: {  	[tilespmem:s12], [sflag:$0x3] =	stream.indirect_vreg.gather [hbm4b:s7+s3], $0x80, v4, vm0, $0xb8;
	[tilespmem:$0x18080] =	vst v63  }
0xaa: {  	s12 =	sld [smem:$0x7FB]  }
0xab: {  	[tilespmem:s11], [sflag:$0x3] =	stream.indirect_vreg.gather [hbm4b:s1+s3], $0x80, v3, vm0, $0xb8;
	[tilespmem:$0x18080] =	vst v63  }
0xac: {  	s11 =	sld [smem:$0x7FC]  }
0xad: {  	[tilespmem:s12], [sflag:$0x3] =	stream.indirect_vreg.gather [hbm4b:s5+s3], $0x80, v3, vm0, $0xb8;
	[tilespmem:$0x18080] =	vst v63  }
0xae: {  	s12 =	sld [smem:$0x7FD]  }
0xaf: {  	[tilespmem:s11], [sflag:$0x3] =	stream.indirect_vreg.gather [hbm4b:s6+s3], $0x80, v3, vm0, $0xb8;
	[tilespmem:$0x18080] =	vst v63  }
0xb0: {  	_ = 	snop  }
0xb1: {  	[tilespmem:s12], [sflag:$0x3] =	stream.indirect_vreg.gather [hbm4b:s7+s3], $0x80, v3, vm0, $0xb8;
	[tilespmem:$0x18080] =	vst v63  }
0xb2: {  	_ =	swait.ge [sflag:s29], $0x8000  }
0xb3: {  	s12 =	sld [smem:$0x7F7]  }
0xb4: {  	[sflag:s29] =	ssyncset.done $0x0  }
0xb5: {  	[sflag:s29] =	ssyncadd.s32 $0xFFFF8000  }
0xb6: {  	[hbm4b:s12+s3] =	stream.linear.scatter [tilespmem:s10], [sflag:$0x4], $0x8000, $0x38;
	[tilespmem:$0x18080] =	vst v63  }
0xb7: {  	_ =	swait.ge [sflag:s30], $0x8000  }
0xb8: {  	[sflag:s30] =	ssyncset.done $0x0  }
0xb9: {  	[sflag:s30] =	ssyncadd.s32 $0xFFFF8000  }
0xba: {  	v3 =	vld [tilespmem:$0x60];
	_ =	sdelay $0x4  }
0xbb: {  	v62 =	vshll.u32 v3, $0x3  }
0xbc: {  	v3 =	vand.u32 $0x7, v3;
	v4 =	vand.u32 $0xFFFFFFC0, v62  }
0xbd: {  	v3 =	vor.u32 v3, v4  }
0xbe: {  	v4 =	vperm.xlane v3, v0;
	_ =	sdelay $0x1  }
0xbf: {  	v4 =	vadd.s32 v1, v4;
	_ =	sdelay $0x4  }
0xc0: {  	[tilespmem:s10], [sflag:$0x1] =	stream.indirect_vreg.gather [hbm4b:s1+s3], $0x80, v4, vm0, $0xb8;
	[tilespmem:$0x18080] =	vst v63  }
0xc1: {  	v3 =	vperm.xlane v3, v2  }
0xc2: {  	[tilespmem:s13], [sflag:$0x1] =	stream.indirect_vreg.gather [hbm4b:s5+s3], $0x80, v4, vm0, $0xb8;
	[tilespmem:$0x18080] =	vst v63  }
0xc3: {  	v3 =	vadd.s32 v1, v3  }
0xc4: {  	[tilespmem:s14], [sflag:$0x1] =	stream.indirect_vreg.gather [hbm4b:s6+s3], $0x80, v4, vm0, $0xb8;
	[tilespmem:$0x18080] =	vst v63  }
0xc5: {  	_ = 	snop  }
0xc6: {  	[tilespmem:s15], [sflag:$0x1] =	stream.indirect_vreg.gather [hbm4b:s7+s3], $0x80, v4, vm0, $0xb8;
	[tilespmem:$0x18080] =	vst v63  }
0xc7: {  	_ = 	snop  }
0xc8: {  	[tilespmem:s16], [sflag:$0x1] =	stream.indirect_vreg.gather [hbm4b:s1+s3], $0x80, v3, vm0, $0xb8;
	[tilespmem:$0x18080] =	vst v63  }
0xc9: {  	_ = 	snop  }
0xca: {  	[tilespmem:s17], [sflag:$0x1] =	stream.indirect_vreg.gather [hbm4b:s5+s3], $0x80, v3, vm0, $0xb8;
	[tilespmem:$0x18080] =	vst v63  }
0xcb: {  	_ = 	snop  }
0xcc: {  	[tilespmem:s18], [sflag:$0x1] =	stream.indirect_vreg.gather [hbm4b:s6+s3], $0x80, v3, vm0, $0xb8;
	[tilespmem:$0x18080] =	vst v63  }
0xcd: {  	_ = 	snop  }
0xce: {  	[tilespmem:s19], [sflag:$0x1] =	stream.indirect_vreg.gather [hbm4b:s7+s3], $0x80, v3, vm0, $0xb8;
	[tilespmem:$0x18080] =	vst v63  }
0xcf: {  	v3 =	vld [tilespmem:$0x70];
	_ =	sdelay $0x4  }
0xd0: {  	v63 =	vshll.u32 v3, $0x3  }
0xd1: {  	v3 =	vand.u32 $0x7, v3;
	v4 =	vand.u32 $0xFFFFFFC0, v63  }
0xd2: {  	v3 =	vor.u32 v3, v4  }
0xd3: {  	v4 =	vperm.xlane v3, v0;
	_ =	sdelay $0x1  }
0xd4: {  	v4 =	vadd.s32 v1, v4;
	_ =	sdelay $0x4  }
0xd5: {  	[tilespmem:s20], [sflag:$0x1] =	stream.indirect_vreg.gather [hbm4b:s1+s3], $0x80, v4, vm0, $0xb8;
	[tilespmem:$0x18080] =	vst v63  }
0xd6: {  	v3 =	vperm.xlane v3, v2  }
0xd7: {  	[tilespmem:s21], [sflag:$0x1] =	stream.indirect_vreg.gather [hbm4b:s5+s3], $0x80, v4, vm0, $0xb8;
	[tilespmem:$0x18080] =	vst v63  }
0xd8: {  	v3 =	vadd.s32 v1, v3  }
0xd9: {  	[tilespmem:s22], [sflag:$0x1] =	stream.indirect_vreg.gather [hbm4b:s6+s3], $0x80, v4, vm0, $0xb8;
	[tilespmem:$0x18080] =	vst v63  }
0xda: {  	_ = 	snop  }
0xdb: {  	[tilespmem:s23], [sflag:$0x1] =	stream.indirect_vreg.gather [hbm4b:s7+s3], $0x80, v4, vm0, $0xb8;
	[tilespmem:$0x18080] =	vst v63  }
0xdc: {  	_ = 	snop  }
0xdd: {  	[tilespmem:s24], [sflag:$0x1] =	stream.indirect_vreg.gather [hbm4b:s1+s3], $0x80, v3, vm0, $0xb8;
	[tilespmem:$0x18080] =	vst v63  }
0xde: {  	_ = 	snop  }
0xdf: {  	[tilespmem:s25], [sflag:$0x1] =	stream.indirect_vreg.gather [hbm4b:s5+s3], $0x80, v3, vm0, $0xb8;
	[tilespmem:$0x18080] =	vst v63  }
0xe0: {  	_ = 	snop  }
0xe1: {  	[tilespmem:s26], [sflag:$0x1] =	stream.indirect_vreg.gather [hbm4b:s6+s3], $0x80, v3, vm0, $0xb8;
	[tilespmem:$0x18080] =	vst v63  }
0xe2: {  	s12 =	simm.s32 $0x2  }
0xe3: {  	[tilespmem:s28], [sflag:$0x1] =	stream.indirect_vreg.gather [hbm4b:s7+s3], $0x80, v3, vm0, $0xb8;
	[tilespmem:$0x18080] =	vst v63  }
0xe4: {  	_ =	swait.ge [sflag:s12], $0x8000  }
0xe5: {  	[sflag:s12] =	ssyncset.done $0x0  }
0xe6: {  	s11 =	rddreg [dreg:$0x5];
	[sflag:s12] =	ssyncadd.s32 $0xFFFF8000  }
0xe7: {  	[hbm4b:s11+s3] =	stream.linear.scatter [tilespmem:s9], [sflag:$0x5], $0x8000, $0x38;
	[tilespmem:$0x18080] =	vst v63  }
0xe8: {  	_ =	swait.ge [sflag:s2], $0x8000  }
0xe9: {  	[sflag:s2] =	ssyncset.done $0x0  }
0xea: {  	s9 =	rddreg [dreg:$0x6];
	[sflag:s2] =	ssyncadd.s32 $0xFFFF8000  }
0xeb: {  	[hbm4b:s9+s3] =	stream.linear.scatter [tilespmem:s31], [sflag:$0x6], $0x8000, $0x38;
	[tilespmem:$0x18080] =	vst v63  }
0xec: {  	_ =	swait.ge [sflag:s29], $0x8000  }
0xed: {  	[sflag:s29] =	ssyncset.done $0x0  }
0xee: {  	s12 =	rddreg [dreg:$0x7];
	[sflag:s29] =	ssyncadd.s32 $0xFFFF8000  }
0xef: {  	[hbm4b:s12+s3] =	stream.linear.scatter [tilespmem:s10], [sflag:$0x4], $0x8000, $0x38;
	[tilespmem:$0x18080] =	vst v63  }
0xf0: {  	_ =	swait.ge [sflag:s0], $0x8000  }
0xf1: {  	[sflag:s0] =	ssyncset.done $0x0  }
0xf2: {  	[sflag:s0] =	ssyncadd.s32 $0xFFFF8000  }
0xf3: {  	p0 =	sne.s32 s8, $0x1;
	_ =	swait.ge [sflag:s4], $0x8000  }
.Ltmp0:
0xf4: {  	[sflag:s4] =	ssyncset.done $0x0;
	(pc) =	sbr.rel @p0 .LBB2_1-.Ltmp0, $4  }
0xf5: {  	[sflag:s4] =	ssyncadd.s32 $0xFFFF8000  }
0xf6: {  	_ =	swait.ge [sflag:s30], $0x8000  }
0xf7: {  	[sflag:s30] =	ssyncset.done $0x0  }
0xf8: {  	s8 =	sadd.s32 $0xFFFFFFFF, s8;
	[sflag:s30] =	ssyncadd.s32 $0xFFFF8000  }
0xf9: {  	_ =	sfence.sel $0x180000  }
0xfa: {  	[bflag:$0x0] =	sbarrier.arrive $0xFFFF  }
0xfb: {  	_ =	strace $0x90000047  }
0xfc: {  	s0 =	stileid.u32;
	[bflag:$0x2] =	sbarrier.arrive $0xFFFF  }
0xfd: {  	p0 =	sne.s32 s0, $0x0;
	s0 =	rddreg [dreg:$0x3]  }
0xfe: {  	s0 =	sadd.s32 @!p0 $0x100000, s0  }
0xff: {  	[sflag:s0] =	ssyncadd.tile.s32 @!p0 $0x1;
	_ =	shalt  }
.Lfunc_end2:
_tile_overlayer_lowered:
.L_overlay_start_2:
0x100: {  	(tag) =	ssettag $0x2  }
0x101: {  	s0 =	rddreg [dreg:$0x0];
	s2 =	stileid.u32  }
0x102: {  	s1 =	rddreg [dreg:$0x1];
	p0 =	sne.s32 s2, $0x0  }
0x103: {  	s3 =	rddreg [dreg:$0x2];
	[bflag:$0x3] =	sbarrier.arrive $0xFFFF;
	s2 =	simm.s32 @!p0 $0x1C07  }
0x104: {  	[timem:s3], [sflag:s2] =	dma.local @!p0 [hbm:s0], s1  }
0x105: {  	s0 =	simm.s32 @!p0 $0x7  }
0x106: {  	_ =	swait.ge @!p0 [sflag:s0], s1  }
0x107: {  	s1 =	ssub.s32 @!p0 $0x0, s1;
	[sflag:s0] =	ssyncset.done @!p0 $0x0  }
0x108: {  	[sflag:s0] =	ssyncadd.s32 @!p0 s1  }
0x109: {  	[bflag:$0x3] =	sbarrier.arrive $0xFFFF  }
0x10a: {  	_ =	shalt  }

</sc_bundles>
